<compile_context>
chip_gen: v7x
topology: tpu7x:2x2x1
jax: 0.10.2.dev20260603
libtpu: 0.0.44.dev20260713+nightly
codegen_flags: <defaults>
</compile_context>

<pallas_src>
import jax
import jax.numpy as jnp
from jax import lax
from jax.experimental import pallas as pl
from jax.experimental.pallas import tpu as pltpu
from jax.experimental.pallas import tpu_sc as plsc

NUM_CORES = 2
NUM_SUBCORES = 16
NW = NUM_CORES * NUM_SUBCORES
LANES = 16
ROWS = 8
NBUF = 2


def _sc_body(x_hbm, q_hbm, lut_hbm, out_hbm,
             q_v, lut_v, in_v0, in_v1, out_v0, out_v1, in_sem, out_sem):
    in_bufs = [in_v0, in_v1]
    out_bufs = [out_v0, out_v1]
    wid = lax.axis_index("s") * NUM_CORES + lax.axis_index("c")
    nrows, ncols = x_hbm.shape
    nstripes = nrows // ROWS
    per_w = nstripes // NW
    ngroup = per_w // NBUF

    pltpu.sync_copy(q_hbm, q_v)
    pltpu.sync_copy(lut_hbm, lut_v)

    qv = q_v[...]
    lut_vec = lut_v[...]
    q0 = jnp.broadcast_to(jnp.min(qv), (LANES,))
    qlast = jnp.broadcast_to(jnp.max(qv), (LANES,))
    scale = jnp.full((LANES,), LANES - 1.0, jnp.float32) / (qlast - q0)
    bias = -q0 * scale
    lo = jnp.full((LANES,), 0.0, jnp.float32)
    hi = jnp.full((LANES,), LANES - 1.0, jnp.float32)
    magic = jnp.full((LANES,), float(2 ** 23), jnp.float32)

    sbase = wid * per_w

    for b in range(NBUF):
        pltpu.async_copy(x_hbm.at[pl.ds((sbase + b) * ROWS, ROWS), :],
                         in_bufs[b], in_sem.at[b])

    def group_body(g, carry):
        for b in range(NBUF):
            r0 = (sbase + g * NBUF + b) * ROWS
            pltpu.make_async_copy(x_hbm.at[pl.ds(r0, ROWS), :],
                                  in_bufs[b], in_sem.at[b]).wait()

            @pl.when(g > 0)
            def _drain_prev_store(b=b, r0=r0):
                pltpu.make_async_copy(out_bufs[b],
                                      out_hbm.at[pl.ds(r0, ROWS), :],
                                      out_sem.at[b]).wait()

            def row_body(r, carry2, b=b):
                @plsc.parallel_loop(0, ncols, LANES, unroll=8)
                def _compute(i, b=b, r=r):
                    v = in_bufs[b][r, pl.ds(i, LANES)]
                    t = jnp.minimum(jnp.maximum(v * scale + bias, lo), hi)
                    idx = plsc.bitcast(t + magic, jnp.int32) & (LANES - 1)
                    out_bufs[b][r, pl.ds(i, LANES)] = jnp.take_along_axis(
                        lut_vec, idx, axis=0, mode="promise_in_bounds")
                return carry2

            lax.fori_loop(0, ROWS, row_body, 0)

            pltpu.async_copy(out_bufs[b], out_hbm.at[pl.ds(r0, ROWS), :],
                             out_sem.at[b])

            nxt = (g + 1) * NBUF + b

            @pl.when(nxt < per_w)
            def _issue_next_load(b=b, nxt=nxt):
                pltpu.async_copy(
                    x_hbm.at[pl.ds((sbase + nxt) * ROWS, ROWS), :],
                    in_bufs[b], in_sem.at[b])
        return carry

    lax.fori_loop(0, ngroup, group_body, 0)

    for b in range(NBUF):
        last_r0 = (sbase + (ngroup - 1) * NBUF + b) * ROWS
        pltpu.make_async_copy(out_bufs[b],
                              out_hbm.at[pl.ds(last_r0, ROWS), :],
                              out_sem.at[b]).wait()


def kernel(x, quant_levels, lut):
    nrows = x.size // x.shape[-1]
    ncols = x.shape[-1]
    mesh = plsc.VectorSubcoreMesh(core_axis_name="c", subcore_axis_name="s")
    f = pl.kernel(
        _sc_body,
        out_type=jax.ShapeDtypeStruct((nrows, ncols), jnp.float32),
        mesh=mesh,
        compiler_params=pltpu.CompilerParams(
            needs_layout_passes=False, use_tc_tiling_on_sc=True),
        scratch_types=[
            pltpu.VMEM((LANES,), jnp.float32),
            pltpu.VMEM((LANES,), jnp.float32),
            pltpu.VMEM((ROWS, ncols), jnp.float32),
            pltpu.VMEM((ROWS, ncols), jnp.float32),
            pltpu.VMEM((ROWS, ncols), jnp.float32),
            pltpu.VMEM((ROWS, ncols), jnp.float32),
            pltpu.SemaphoreType.DMA((NBUF,)),
            pltpu.SemaphoreType.DMA((NBUF,)),
        ],
    )
    out = f(x.reshape(nrows, ncols), quant_levels, lut)
    return out.reshape(x.shape)

# --- scband reference (transcript-rebuilt; emitter-appended) ---
"""Pipeline reference for scband-quantized-activation-20985210208818 (READ-ONLY COPY).

The authoritative reference and input builder live on the scoring server;
editing this copy changes nothing except your own understanding.
"""

import jax, jax.numpy as jnp
import numpy as np

NUM_LEVELS = 16

def setup_inputs(seed: int = 0) -> dict:
    key = jax.random.key(seed)
    kx = jax.random.fold_in(key, 1)
    # activations: production-scale hidden states [batch, seq, d_model]
    x = jax.random.normal(kx, (2, 2048, 2048), dtype=jnp.float32) * 2.0
    # buffers from __init__: 4-bit quantization grid and GELU lookup table
    quant_levels = jnp.linspace(-6.0, 6.0, NUM_LEVELS, dtype=jnp.float32)
    lut = jax.nn.gelu(quant_levels)
    return {"x": x, "quant_levels": quant_levels, "lut": lut}

def reference(x, quant_levels, lut):
    # faithful port of the non-triton fallback path
    x_clamped = jnp.clip(x, quant_levels[0], quant_levels[-1])
    dist = jnp.abs(x_clamped[..., None] - quant_levels[None, :].reshape((1,) * (x.ndim) + (-1,)).squeeze(0) if False else x_clamped[..., None] - quant_levels)
    dist = jnp.abs(dist)
    indices = jnp.argmin(dist, axis=-1)
    return lut[indices]

if __name__ == "__main__":
    import jax
    _d = setup_inputs()
    print(jax.jit(kernel)(*tuple(_d.values())))

</pallas_src>

<mosaic_0001>
#map = affine_map<(d0, d1) -> (0, 0)>
#map1 = affine_map<(d0, d1) -> (0)>
module attributes {stable_mosaic.version = 14 : i64} {
  func.func @_sc_body(%arg0: i32, %arg1: i32, %arg2: memref<4096x2048xf32, #tpu.memory_space<hbm>>, %arg3: memref<16xf32, #tpu.memory_space<hbm>>, %arg4: memref<16xf32, #tpu.memory_space<hbm>>, %arg5: memref<4096x2048xf32, #tpu.memory_space<hbm>>, %arg6: memref<16xf32, #tpu.memory_space<vmem>>, %arg7: memref<16xf32, #tpu.memory_space<vmem>>, %arg8: memref<8x2048xf32, #tpu.memory_space<vmem>>, %arg9: memref<8x2048xf32, #tpu.memory_space<vmem>>, %arg10: memref<8x2048xf32, #tpu.memory_space<vmem>>, %arg11: memref<8x2048xf32, #tpu.memory_space<vmem>>, %arg12: memref<2x!tpu.dma_semaphore, #tpu.memory_space<semaphore_mem>>, %arg13: memref<2x!tpu.dma_semaphore, #tpu.memory_space<semaphore_mem>>) attributes {dimension_semantics = [#tpu.dimension_semantics<core_parallel>, #tpu.dimension_semantics<subcore_parallel>], iteration_bounds = array<i64: 2, 16>, scalar_prefetch = 0 : i64, scratch_operands = 8 : i64, tpu.core_type = #tpu.core_type<sc_vector_subcore>, window_params = [{transform_indices = #map}, {transform_indices = #map1}, {transform_indices = #map1}, {transform_indices = #map}]} {
    %mul3A = arith.constant 2 : i32
    %mul3A_0 = arith.muli %arg1, %mul3A : i32
    %add3A = arith.addi %mul3A_0, %arg0 : i32
    "tpu.region"() ({
      %run_scoped3A = tpu.sem_alloc : memref<!tpu.dma_semaphore, #tpu.memory_space<semaphore_mem>>
      tpu.enqueue_dma source(%arg3 : memref<16xf32, #tpu.memory_space<hbm>>) target(%arg6 : memref<16xf32, #tpu.memory_space<vmem>>) target_semaphore(%run_scoped3A : memref<!tpu.dma_semaphore, #tpu.memory_space<semaphore_mem>>)
      tpu.wait_dma2 semaphore(%run_scoped3A : memref<!tpu.dma_semaphore, #tpu.memory_space<semaphore_mem>>) src(%arg3 : memref<16xf32, #tpu.memory_space<hbm>>) dst(%arg6 : memref<16xf32, #tpu.memory_space<vmem>>)
      tpu.yield
    }) : () -> ()
    "tpu.region"() ({
      %run_scoped3A = tpu.sem_alloc : memref<!tpu.dma_semaphore, #tpu.memory_space<semaphore_mem>>
      tpu.enqueue_dma source(%arg4 : memref<16xf32, #tpu.memory_space<hbm>>) target(%arg7 : memref<16xf32, #tpu.memory_space<vmem>>) target_semaphore(%run_scoped3A : memref<!tpu.dma_semaphore, #tpu.memory_space<semaphore_mem>>)
      tpu.wait_dma2 semaphore(%run_scoped3A : memref<!tpu.dma_semaphore, #tpu.memory_space<semaphore_mem>>) src(%arg4 : memref<16xf32, #tpu.memory_space<hbm>>) dst(%arg7 : memref<16xf32, #tpu.memory_space<vmem>>)
      tpu.yield
    }) : () -> ()
    %get3A = arith.constant 0 : index
    %get3A_1 = tpu.vector_load %arg6[%get3A] {strides = array<i32>} : memref<16xf32, #tpu.memory_space<vmem>>, vector<16xf32>,
    %get3A_2 = arith.constant 0 : index
    %get3A_3 = tpu.vector_load %arg7[%get3A_2] {strides = array<i32>} : memref<16xf32, #tpu.memory_space<vmem>>, vector<16xf32>,
    %reduce_min3A = arith.constant true
    %reduce_min3A_4 = vector.broadcast %reduce_min3A : i1 to vector<16xi1>
    %reduce_min3A_5 = tpu.scan <min>, %get3A_1 masked %reduce_min3A_4 : vector<16xf32>, vector<16xi1> -> vector<16xf32>
    %reduce_min3A_6 = vector.extract %reduce_min3A_5[15] : f32 from vector<16xf32>
    %broadcast_in_dim3A = vector.broadcast %reduce_min3A_6 : f32 to vector<16xf32>
    %reduce_max3A = arith.constant true
    %reduce_max3A_7 = vector.broadcast %reduce_max3A : i1 to vector<16xi1>
    %reduce_max3A_8 = tpu.scan <max>, %get3A_1 masked %reduce_max3A_7 : vector<16xf32>, vector<16xi1> -> vector<16xf32>
    %reduce_max3A_9 = vector.extract %reduce_max3A_8[15] : f32 from vector<16xf32>
    %broadcast_in_dim3A_10 = vector.broadcast %reduce_max3A_9 : f32 to vector<16xf32>
    %broadcast_in_dim3A_11 = arith.constant 1.500000e+01 : f32
    %broadcast_in_dim3A_12 = vector.broadcast %broadcast_in_dim3A_11 : f32 to vector<16xf32>
    %sub3A = arith.subf %broadcast_in_dim3A_10, %broadcast_in_dim3A : vector<16xf32>
    %div3A = arith.divf %broadcast_in_dim3A_12, %sub3A : vector<16xf32>
    %neg3A = arith.constant 0.000000e+00 : f32
    %neg3A_13 = vector.broadcast %neg3A : f32 to vector<16xf32>
    %neg3A_14 = arith.subf %neg3A_13, %broadcast_in_dim3A : vector<16xf32>
    %mul3A_15 = arith.mulf %neg3A_14, %div3A : vector<16xf32>
    %broadcast_in_dim3A_16 = arith.constant 0.000000e+00 : f32
    %broadcast_in_dim3A_17 = vector.broadcast %broadcast_in_dim3A_16 : f32 to vector<16xf32>
    %broadcast_in_dim3A_18 = arith.constant 1.500000e+01 : f32
    %broadcast_in_dim3A_19 = vector.broadcast %broadcast_in_dim3A_18 : f32 to vector<16xf32>
    %broadcast_in_dim3A_20 = arith.constant 0x4B000000 : f32
    %broadcast_in_dim3A_21 = vector.broadcast %broadcast_in_dim3A_20 : f32 to vector<16xf32>
    %mul3A_22 = arith.constant 16 : i32
    %mul3A_23 = arith.muli %add3A, %mul3A_22 : i32
    %add3A_24 = arith.constant 0 : i32
    %add3A_25 = arith.addi %mul3A_23, %add3A_24 : i32
    %mul3A_26 = arith.constant 8 : i32
    %mul3A_27 = arith.muli %add3A_25, %mul3A_26 : i32
    %dma_start3A = arith.constant 0 : i32
    %dma_start3A_28 = arith.constant 0 : i32
    %dma_start3A_29 = tpu.memref_slice %arg2[%mul3A_27, %dma_start3A_28] : memref<4096x2048xf32, #tpu.memory_space<hbm>> -> memref<8x2048xf32, #tpu.memory_space<hbm>>
    %dma_start3A_30 = tpu.memref_slice %arg12[%dma_start3A] : memref<2x!tpu.dma_semaphore, #tpu.memory_space<semaphore_mem>> -> memref<1x!tpu.dma_semaphore, #tpu.memory_space<semaphore_mem>>
    %dma_start3A_31 = tpu.memref_squeeze %dma_start3A_30 : memref<1x!tpu.dma_semaphore, #tpu.memory_space<semaphore_mem>> -> memref<!tpu.dma_semaphore, #tpu.memory_space<semaphore_mem>>
    %dma_start3A_32 = arith.constant 0 : i32
    %dma_start3A_33 = tpu.memref_slice %arg2[%mul3A_27, %dma_start3A_32] : memref<4096x2048xf32, #tpu.memory_space<hbm>> -> memref<8x2048xf32, #tpu.memory_space<hbm>>
    tpu.enqueue_dma source(%dma_start3A_33 : memref<8x2048xf32, #tpu.memory_space<hbm>>) target(%arg8 : memref<8x2048xf32, #tpu.memory_space<vmem>>) target_semaphore(%dma_start3A_31 : memref<!tpu.dma_semaphore, #tpu.memory_space<semaphore_mem>>)
    %add3A_34 = arith.constant 1 : i32
    %add3A_35 = arith.addi %mul3A_23, %add3A_34 : i32
    %mul3A_36 = arith.constant 8 : i32
    %mul3A_37 = arith.muli %add3A_35, %mul3A_36 : i32
    %dma_start3A_38 = arith.constant 1 : i32
    %dma_start3A_39 = arith.constant 0 : i32
    %dma_start3A_40 = tpu.memref_slice %arg2[%mul3A_37, %dma_start3A_39] : memref<4096x2048xf32, #tpu.memory_space<hbm>> -> memref<8x2048xf32, #tpu.memory_space<hbm>>
    %dma_start3A_41 = tpu.memref_slice %arg12[%dma_start3A_38] : memref<2x!tpu.dma_semaphore, #tpu.memory_space<semaphore_mem>> -> memref<1x!tpu.dma_semaphore, #tpu.memory_space<semaphore_mem>>
    %dma_start3A_42 = tpu.memref_squeeze %dma_start3A_41 : memref<1x!tpu.dma_semaphore, #tpu.memory_space<semaphore_mem>> -> memref<!tpu.dma_semaphore, #tpu.memory_space<semaphore_mem>>
    %dma_start3A_43 = arith.constant 0 : i32
    %dma_start3A_44 = tpu.memref_slice %arg2[%mul3A_37, %dma_start3A_43] : memref<4096x2048xf32, #tpu.memory_space<hbm>> -> memref<8x2048xf32, #tpu.memory_space<hbm>>
    tpu.enqueue_dma source(%dma_start3A_44 : memref<8x2048xf32, #tpu.memory_space<hbm>>) target(%arg9 : memref<8x2048xf32, #tpu.memory_space<vmem>>) target_semaphore(%dma_start3A_42 : memref<!tpu.dma_semaphore, #tpu.memory_space<semaphore_mem>>)
    %scan3A = arith.constant 0 : i32
    %scan3A_45 = arith.constant 0 : i32
    %scan3A_46 = arith.constant 8 : i32
    %scan3A_47 = arith.addi %scan3A_45, %scan3A_46 : i32
    %scan3A_48 = arith.constant 1 : i32
    scf.for %scan3A_75 = %scan3A_45 to %scan3A_47 step %scan3A_48  : i32 {
      %mul3A_76 = arith.constant 2 : i32
      %mul3A_77 = arith.muli %scan3A_75, %mul3A_76 : i32
      %add3A_78 = arith.addi %mul3A_23, %mul3A_77 : i32
      %add3A_79 = arith.constant 0 : i32
      %add3A_80 = arith.addi %add3A_78, %add3A_79 : i32
      %mul3A_81 = arith.constant 8 : i32
      %mul3A_82 = arith.muli %add3A_80, %mul3A_81 : i32
      %dma_wait3A_83 = arith.constant 0 : i32
      %dma_wait3A_84 = arith.constant 0 : i32
      %dma_wait3A_85 = tpu.memref_slice %arg2[%mul3A_82, %dma_wait3A_84] : memref<4096x2048xf32, #tpu.memory_space<hbm>> -> memref<8x2048xf32, #tpu.memory_space<hbm>>
      %dma_wait3A_86 = tpu.memref_slice %arg12[%dma_wait3A_83] : memref<2x!tpu.dma_semaphore, #tpu.memory_space<semaphore_mem>> -> memref<1x!tpu.dma_semaphore, #tpu.memory_space<semaphore_mem>>
      %dma_wait3A_87 = tpu.memref_squeeze %dma_wait3A_86 : memref<1x!tpu.dma_semaphore, #tpu.memory_space<semaphore_mem>> -> memref<!tpu.dma_semaphore, #tpu.memory_space<semaphore_mem>>
      %dma_wait3A_88 = arith.constant 0 : i32
      %dma_wait3A_89 = tpu.memref_slice %arg2[%mul3A_82, %dma_wait3A_88] : memref<4096x2048xf32, #tpu.memory_space<hbm>> -> memref<8x2048xf32, #tpu.memory_space<hbm>>
      tpu.wait_dma2 semaphore(%dma_wait3A_87 : memref<!tpu.dma_semaphore, #tpu.memory_space<semaphore_mem>>) src(%dma_wait3A_89 : memref<8x2048xf32, #tpu.memory_space<hbm>>) dst(%arg8 : memref<8x2048xf32, #tpu.memory_space<vmem>>)
      %gt3A = arith.constant 0 : i32
      %gt3A_90 = arith.cmpi sgt, %scan3A_75, %gt3A : i32
      %convert_element_type3A = arith.extui %gt3A_90 : i1 to i32
      %cond3A = arith.constant 0 : i32
      %cond3A_91 = arith.cmpi ne, %convert_element_type3A, %cond3A : i32
      scf.if %cond3A_91 {
        %dma_wait3A_158 = arith.constant 0 : i32
        %dma_wait3A_159 = arith.constant 0 : i32
        %dma_wait3A_160 = tpu.memref_slice %arg5[%mul3A_82, %dma_wait3A_159] : memref<4096x2048xf32, #tpu.memory_space<hbm>> -> memref<8x2048xf32, #tpu.memory_space<hbm>>
        %dma_wait3A_161 = tpu.memref_slice %arg13[%dma_wait3A_158] : memref<2x!tpu.dma_semaphore, #tpu.memory_space<semaphore_mem>> -> memref<1x!tpu.dma_semaphore, #tpu.memory_space<semaphore_mem>>
        %dma_wait3A_162 = tpu.memref_squeeze %dma_wait3A_161 : memref<1x!tpu.dma_semaphore, #tpu.memory_space<semaphore_mem>> -> memref<!tpu.dma_semaphore, #tpu.memory_space<semaphore_mem>>
        %dma_wait3A_163 = arith.constant 0 : i32
        %dma_wait3A_164 = tpu.memref_slice %arg5[%mul3A_82, %dma_wait3A_163] : memref<4096x2048xf32, #tpu.memory_space<hbm>> -> memref<8x2048xf32, #tpu.memory_space<hbm>>
        tpu.wait_dma2 semaphore(%dma_wait3A_162 : memref<!tpu.dma_semaphore, #tpu.memory_space<semaphore_mem>>) src(%arg10 : memref<8x2048xf32, #tpu.memory_space<vmem>>) dst(%dma_wait3A_164 : memref<8x2048xf32, #tpu.memory_space<hbm>>)
      } else {
      }
      %scan3A_92 = arith.constant 0 : i32
      %scan3A_93 = arith.constant 0 : i32
      %scan3A_94 = arith.constant 8 : i32
      %scan3A_95 = arith.addi %scan3A_93, %scan3A_94 : i32
      %scan3A_96 = arith.constant 1 : i32
      scf.for %scan3A_158 = %scan3A_93 to %scan3A_95 step %scan3A_96  : i32 {
        %parallel_loop3A = arith.constant 0 : i32
        %parallel_loop3A_159 = arith.constant 2048 : i32
        %parallel_loop3A_160 = arith.constant 16 : i32
        scf.for %parallel_loop3A_161 = %parallel_loop3A to %parallel_loop3A_159 step %parallel_loop3A_160  : i32 {
          %parallel_loop3A_162 = arith.index_cast %scan3A_158 : i32 to index
          %parallel_loop3A_163 = arith.index_cast %parallel_loop3A_161 : i32 to index
          %parallel_loop3A_164 = tpu.vector_load %arg8[%parallel_loop3A_162, %parallel_loop3A_163] {strides = array<i32>} : memref<8x2048xf32, #tpu.memory_space<vmem>>, vector<16xf32>,
          %parallel_loop3A_165 = arith.mulf %parallel_loop3A_164, %div3A : vector<16xf32>
          %parallel_loop3A_166 = arith.addf %parallel_loop3A_165, %mul3A_15 : vector<16xf32>
          %parallel_loop3A_167 = arith.maximumf %parallel_loop3A_166, %broadcast_in_dim3A_17 : vector<16xf32>
          %parallel_loop3A_168 = arith.minimumf %parallel_loop3A_167, %broadcast_in_dim3A_19 : vector<16xf32>
          %parallel_loop3A_169 = arith.addf %parallel_loop3A_168, %broadcast_in_dim3A_21 : vector<16xf32>
          %parallel_loop3A_170 = vector.bitcast %parallel_loop3A_169 : vector<16xf32> to vector<16xi32>
          %parallel_loop3A_171 = arith.constant 15 : i32
          %parallel_loop3A_172 = vector.broadcast %parallel_loop3A_171 : i32 to vector<16xi32>
          %parallel_loop3A_173 = arith.andi %parallel_loop3A_170, %parallel_loop3A_172 : vector<16xi32>
          %parallel_loop3A_174 = vector.shape_cast %parallel_loop3A_173 : vector<16xi32> to vector<16x1xi32>
          %parallel_loop3A_175 = vector.shape_cast %parallel_loop3A_174 : vector<16x1xi32> to vector<16xi32>
          %parallel_loop3A_176 = tpu.dynamic_gather %get3A_3[%parallel_loop3A_175] in [0] : vector<16xf32>, vector<16xi32> -> vector<16xf32>
          %parallel_loop3A_177 = arith.index_cast %scan3A_158 : i32 to index
          %parallel_loop3A_178 = arith.index_cast %parallel_loop3A_161 : i32 to index
          %parallel_loop3A_179 = tpu.vector_load %arg10[%parallel_loop3A_177, %parallel_loop3A_178] {strides = array<i32>} : memref<8x2048xf32, #tpu.memory_space<vmem>>, vector<16xf32>,
          tpu.vector_store %arg10[%parallel_loop3A_177, %parallel_loop3A_178], %parallel_loop3A_176 {strides = array<i32>} : memref<8x2048xf32, #tpu.memory_space<vmem>>, vector<16xf32>,
        } {sc.loop_unroll_factor = 8 : i64, sc.parallel_access}
      }
      %scan3A_97 = arith.constant 8 : i32
      %dma_start3A_98 = arith.constant 0 : i32
      %dma_start3A_99 = arith.constant 0 : i32
      %dma_start3A_100 = tpu.memref_slice %arg5[%mul3A_82, %dma_start3A_99] : memref<4096x2048xf32, #tpu.memory_space<hbm>> -> memref<8x2048xf32, #tpu.memory_space<hbm>>
      %dma_start3A_101 = tpu.memref_slice %arg13[%dma_start3A_98] : memref<2x!tpu.dma_semaphore, #tpu.memory_space<semaphore_mem>> -> memref<1x!tpu.dma_semaphore, #tpu.memory_space<semaphore_mem>>
      %dma_start3A_102 = tpu.memref_squeeze %dma_start3A_101 : memref<1x!tpu.dma_semaphore, #tpu.memory_space<semaphore_mem>> -> memref<!tpu.dma_semaphore, #tpu.memory_space<semaphore_mem>>
      %dma_start3A_103 = arith.constant 0 : i32
      %dma_start3A_104 = tpu.memref_slice %arg5[%mul3A_82, %dma_start3A_103] : memref<4096x2048xf32, #tpu.memory_space<hbm>> -> memref<8x2048xf32, #tpu.memory_space<hbm>>
      tpu.enqueue_dma source(%arg10 : memref<8x2048xf32, #tpu.memory_space<vmem>>) target(%dma_start3A_104 : memref<8x2048xf32, #tpu.memory_space<hbm>>) target_semaphore(%dma_start3A_102 : memref<!tpu.dma_semaphore, #tpu.memory_space<semaphore_mem>>)
      %add3A_105 = arith.constant 1 : i32
      %add3A_106 = arith.addi %scan3A_75, %add3A_105 : i32
      %mul3A_107 = arith.constant 2 : i32
      %mul3A_108 = arith.muli %add3A_106, %mul3A_107 : i32
      %add3A_109 = arith.constant 0 : i32
      %add3A_110 = arith.addi %mul3A_108, %add3A_109 : i32
      %lt3A = arith.constant 16 : i32
      %lt3A_111 = arith.cmpi slt, %add3A_110, %lt3A : i32
      %convert_element_type3A_112 = arith.extui %lt3A_111 : i1 to i32
      %cond3A_113 = arith.constant 0 : i32
      %cond3A_114 = arith.cmpi ne, %convert_element_type3A_112, %cond3A_113 : i32
      scf.if %cond3A_114 {
        %add3A_158 = arith.addi %mul3A_23, %add3A_110 : i32
        %mul3A_159 = arith.constant 8 : i32
        %mul3A_160 = arith.muli %add3A_158, %mul3A_159 : i32
        %dma_start3A_161 = arith.constant 0 : i32
        %dma_start3A_162 = arith.constant 0 : i32
        %dma_start3A_163 = tpu.memref_slice %arg2[%mul3A_160, %dma_start3A_162] : memref<4096x2048xf32, #tpu.memory_space<hbm>> -> memref<8x2048xf32, #tpu.memory_space<hbm>>
        %dma_start3A_164 = tpu.memref_slice %arg12[%dma_start3A_161] : memref<2x!tpu.dma_semaphore, #tpu.memory_space<semaphore_mem>> -> memref<1x!tpu.dma_semaphore, #tpu.memory_space<semaphore_mem>>
        %dma_start3A_165 = tpu.memref_squeeze %dma_start3A_164 : memref<1x!tpu.dma_semaphore, #tpu.memory_space<semaphore_mem>> -> memref<!tpu.dma_semaphore, #tpu.memory_space<semaphore_mem>>
        %dma_start3A_166 = arith.constant 0 : i32
        %dma_start3A_167 = tpu.memref_slice %arg2[%mul3A_160, %dma_start3A_166] : memref<4096x2048xf32, #tpu.memory_space<hbm>> -> memref<8x2048xf32, #tpu.memory_space<hbm>>
        tpu.enqueue_dma source(%dma_start3A_167 : memref<8x2048xf32, #tpu.memory_space<hbm>>) target(%arg8 : memref<8x2048xf32, #tpu.memory_space<vmem>>) target_semaphore(%dma_start3A_165 : memref<!tpu.dma_semaphore, #tpu.memory_space<semaphore_mem>>)
      } else {
      }
      %mul3A_115 = arith.constant 2 : i32
      %mul3A_116 = arith.muli %scan3A_75, %mul3A_115 : i32
      %add3A_117 = arith.addi %mul3A_23, %mul3A_116 : i32
      %add3A_118 = arith.constant 1 : i32
      %add3A_119 = arith.addi %add3A_117, %add3A_118 : i32
      %mul3A_120 = arith.constant 8 : i32
      %mul3A_121 = arith.muli %add3A_119, %mul3A_120 : i32
      %dma_wait3A_122 = arith.constant 1 : i32
      %dma_wait3A_123 = arith.constant 0 : i32
      %dma_wait3A_124 = tpu.memref_slice %arg2[%mul3A_121, %dma_wait3A_123] : memref<4096x2048xf32, #tpu.memory_space<hbm>> -> memref<8x2048xf32, #tpu.memory_space<hbm>>
      %dma_wait3A_125 = tpu.memref_slice %arg12[%dma_wait3A_122] : memref<2x!tpu.dma_semaphore, #tpu.memory_space<semaphore_mem>> -> memref<1x!tpu.dma_semaphore, #tpu.memory_space<semaphore_mem>>
      %dma_wait3A_126 = tpu.memref_squeeze %dma_wait3A_125 : memref<1x!tpu.dma_semaphore, #tpu.memory_space<semaphore_mem>> -> memref<!tpu.dma_semaphore, #tpu.memory_space<semaphore_mem>>
      %dma_wait3A_127 = arith.constant 0 : i32
      %dma_wait3A_128 = tpu.memref_slice %arg2[%mul3A_121, %dma_wait3A_127] : memref<4096x2048xf32, #tpu.memory_space<hbm>> -> memref<8x2048xf32, #tpu.memory_space<hbm>>
      tpu.wait_dma2 semaphore(%dma_wait3A_126 : memref<!tpu.dma_semaphore, #tpu.memory_space<semaphore_mem>>) src(%dma_wait3A_128 : memref<8x2048xf32, #tpu.memory_space<hbm>>) dst(%arg9 : memref<8x2048xf32, #tpu.memory_space<vmem>>)
      %gt3A_129 = arith.constant 0 : i32
      %gt3A_130 = arith.cmpi sgt, %scan3A_75, %gt3A_129 : i32
      %convert_element_type3A_131 = arith.extui %gt3A_130 : i1 to i32
      %cond3A_132 = arith.constant 0 : i32
      %cond3A_133 = arith.cmpi ne, %convert_element_type3A_131, %cond3A_132 : i32
      scf.if %cond3A_133 {
        %dma_wait3A_158 = arith.constant 1 : i32
        %dma_wait3A_159 = arith.constant 0 : i32
        %dma_wait3A_160 = tpu.memref_slice %arg5[%mul3A_121, %dma_wait3A_159] : memref<4096x2048xf32, #tpu.memory_space<hbm>> -> memref<8x2048xf32, #tpu.memory_space<hbm>>
        %dma_wait3A_161 = tpu.memref_slice %arg13[%dma_wait3A_158] : memref<2x!tpu.dma_semaphore, #tpu.memory_space<semaphore_mem>> -> memref<1x!tpu.dma_semaphore, #tpu.memory_space<semaphore_mem>>
        %dma_wait3A_162 = tpu.memref_squeeze %dma_wait3A_161 : memref<1x!tpu.dma_semaphore, #tpu.memory_space<semaphore_mem>> -> memref<!tpu.dma_semaphore, #tpu.memory_space<semaphore_mem>>
        %dma_wait3A_163 = arith.constant 0 : i32
        %dma_wait3A_164 = tpu.memref_slice %arg5[%mul3A_121, %dma_wait3A_163] : memref<4096x2048xf32, #tpu.memory_space<hbm>> -> memref<8x2048xf32, #tpu.memory_space<hbm>>
        tpu.wait_dma2 semaphore(%dma_wait3A_162 : memref<!tpu.dma_semaphore, #tpu.memory_space<semaphore_mem>>) src(%arg11 : memref<8x2048xf32, #tpu.memory_space<vmem>>) dst(%dma_wait3A_164 : memref<8x2048xf32, #tpu.memory_space<hbm>>)
      } else {
      }
      %scan3A_134 = arith.constant 0 : i32
      %scan3A_135 = arith.constant 0 : i32
      %scan3A_136 = arith.constant 8 : i32
      %scan3A_137 = arith.addi %scan3A_135, %scan3A_136 : i32
      %scan3A_138 = arith.constant 1 : i32
      scf.for %scan3A_158 = %scan3A_135 to %scan3A_137 step %scan3A_138  : i32 {
        %parallel_loop3A = arith.constant 0 : i32
        %parallel_loop3A_159 = arith.constant 2048 : i32
        %parallel_loop3A_160 = arith.constant 16 : i32
        scf.for %parallel_loop3A_161 = %parallel_loop3A to %parallel_loop3A_159 step %parallel_loop3A_160  : i32 {
          %parallel_loop3A_162 = arith.index_cast %scan3A_158 : i32 to index
          %parallel_loop3A_163 = arith.index_cast %parallel_loop3A_161 : i32 to index
          %parallel_loop3A_164 = tpu.vector_load %arg9[%parallel_loop3A_162, %parallel_loop3A_163] {strides = array<i32>} : memref<8x2048xf32, #tpu.memory_space<vmem>>, vector<16xf32>,
          %parallel_loop3A_165 = arith.mulf %parallel_loop3A_164, %div3A : vector<16xf32>
          %parallel_loop3A_166 = arith.addf %parallel_loop3A_165, %mul3A_15 : vector<16xf32>
          %parallel_loop3A_167 = arith.maximumf %parallel_loop3A_166, %broadcast_in_dim3A_17 : vector<16xf32>
          %parallel_loop3A_168 = arith.minimumf %parallel_loop3A_167, %broadcast_in_dim3A_19 : vector<16xf32>
          %parallel_loop3A_169 = arith.addf %parallel_loop3A_168, %broadcast_in_dim3A_21 : vector<16xf32>
          %parallel_loop3A_170 = vector.bitcast %parallel_loop3A_169 : vector<16xf32> to vector<16xi32>
          %parallel_loop3A_171 = arith.constant 15 : i32
          %parallel_loop3A_172 = vector.broadcast %parallel_loop3A_171 : i32 to vector<16xi32>
          %parallel_loop3A_173 = arith.andi %parallel_loop3A_170, %parallel_loop3A_172 : vector<16xi32>
          %parallel_loop3A_174 = vector.shape_cast %parallel_loop3A_173 : vector<16xi32> to vector<16x1xi32>
          %parallel_loop3A_175 = vector.shape_cast %parallel_loop3A_174 : vector<16x1xi32> to vector<16xi32>
          %parallel_loop3A_176 = tpu.dynamic_gather %get3A_3[%parallel_loop3A_175] in [0] : vector<16xf32>, vector<16xi32> -> vector<16xf32>
          %parallel_loop3A_177 = arith.index_cast %scan3A_158 : i32 to index
          %parallel_loop3A_178 = arith.index_cast %parallel_loop3A_161 : i32 to index
          %parallel_loop3A_179 = tpu.vector_load %arg11[%parallel_loop3A_177, %parallel_loop3A_178] {strides = array<i32>} : memref<8x2048xf32, #tpu.memory_space<vmem>>, vector<16xf32>,
          tpu.vector_store %arg11[%parallel_loop3A_177, %parallel_loop3A_178], %parallel_loop3A_176 {strides = array<i32>} : memref<8x2048xf32, #tpu.memory_space<vmem>>, vector<16xf32>,
        } {sc.loop_unroll_factor = 8 : i64, sc.parallel_access}
      }
      %scan3A_139 = arith.constant 8 : i32
      %dma_start3A_140 = arith.constant 1 : i32
      %dma_start3A_141 = arith.constant 0 : i32
      %dma_start3A_142 = tpu.memref_slice %arg5[%mul3A_121, %dma_start3A_141] : memref<4096x2048xf32, #tpu.memory_space<hbm>> -> memref<8x2048xf32, #tpu.memory_space<hbm>>
      %dma_start3A_143 = tpu.memref_slice %arg13[%dma_start3A_140] : memref<2x!tpu.dma_semaphore, #tpu.memory_space<semaphore_mem>> -> memref<1x!tpu.dma_semaphore, #tpu.memory_space<semaphore_mem>>
      %dma_start3A_144 = tpu.memref_squeeze %dma_start3A_143 : memref<1x!tpu.dma_semaphore, #tpu.memory_space<semaphore_mem>> -> memref<!tpu.dma_semaphore, #tpu.memory_space<semaphore_mem>>
      %dma_start3A_145 = arith.constant 0 : i32
      %dma_start3A_146 = tpu.memref_slice %arg5[%mul3A_121, %dma_start3A_145] : memref<4096x2048xf32, #tpu.memory_space<hbm>> -> memref<8x2048xf32, #tpu.memory_space<hbm>>
      tpu.enqueue_dma source(%arg11 : memref<8x2048xf32, #tpu.memory_space<vmem>>) target(%dma_start3A_146 : memref<8x2048xf32, #tpu.memory_space<hbm>>) target_semaphore(%dma_start3A_144 : memref<!tpu.dma_semaphore, #tpu.memory_space<semaphore_mem>>)
      %add3A_147 = arith.constant 1 : i32
      %add3A_148 = arith.addi %scan3A_75, %add3A_147 : i32
      %mul3A_149 = arith.constant 2 : i32
      %mul3A_150 = arith.muli %add3A_148, %mul3A_149 : i32
      %add3A_151 = arith.constant 1 : i32
      %add3A_152 = arith.addi %mul3A_150, %add3A_151 : i32
      %lt3A_153 = arith.constant 16 : i32
      %lt3A_154 = arith.cmpi slt, %add3A_152, %lt3A_153 : i32
      %convert_element_type3A_155 = arith.extui %lt3A_154 : i1 to i32
      %cond3A_156 = arith.constant 0 : i32
      %cond3A_157 = arith.cmpi ne, %convert_element_type3A_155, %cond3A_156 : i32
      scf.if %cond3A_157 {
        %add3A_158 = arith.addi %mul3A_23, %add3A_152 : i32
        %mul3A_159 = arith.constant 8 : i32
        %mul3A_160 = arith.muli %add3A_158, %mul3A_159 : i32
        %dma_start3A_161 = arith.constant 1 : i32
        %dma_start3A_162 = arith.constant 0 : i32
        %dma_start3A_163 = tpu.memref_slice %arg2[%mul3A_160, %dma_start3A_162] : memref<4096x2048xf32, #tpu.memory_space<hbm>> -> memref<8x2048xf32, #tpu.memory_space<hbm>>
        %dma_start3A_164 = tpu.memref_slice %arg12[%dma_start3A_161] : memref<2x!tpu.dma_semaphore, #tpu.memory_space<semaphore_mem>> -> memref<1x!tpu.dma_semaphore, #tpu.memory_space<semaphore_mem>>
        %dma_start3A_165 = tpu.memref_squeeze %dma_start3A_164 : memref<1x!tpu.dma_semaphore, #tpu.memory_space<semaphore_mem>> -> memref<!tpu.dma_semaphore, #tpu.memory_space<semaphore_mem>>
        %dma_start3A_166 = arith.constant 0 : i32
        %dma_start3A_167 = tpu.memref_slice %arg2[%mul3A_160, %dma_start3A_166] : memref<4096x2048xf32, #tpu.memory_space<hbm>> -> memref<8x2048xf32, #tpu.memory_space<hbm>>
        tpu.enqueue_dma source(%dma_start3A_167 : memref<8x2048xf32, #tpu.memory_space<hbm>>) target(%arg9 : memref<8x2048xf32, #tpu.memory_space<vmem>>) target_semaphore(%dma_start3A_165 : memref<!tpu.dma_semaphore, #tpu.memory_space<semaphore_mem>>)
      } else {
      }
    }
    %scan3A_49 = arith.constant 8 : i32
    %add3A_50 = arith.constant 14 : i32
    %add3A_51 = arith.addi %mul3A_23, %add3A_50 : i32
    %add3A_52 = arith.constant 0 : i32
    %add3A_53 = arith.addi %add3A_51, %add3A_52 : i32
    %mul3A_54 = arith.constant 8 : i32
    %mul3A_55 = arith.muli %add3A_53, %mul3A_54 : i32
    %dma_wait3A = arith.constant 0 : i32
    %dma_wait3A_56 = arith.constant 0 : i32
    %dma_wait3A_57 = tpu.memref_slice %arg5[%mul3A_55, %dma_wait3A_56] : memref<4096x2048xf32, #tpu.memory_space<hbm>> -> memref<8x2048xf32, #tpu.memory_space<hbm>>
    %dma_wait3A_58 = tpu.memref_slice %arg13[%dma_wait3A] : memref<2x!tpu.dma_semaphore, #tpu.memory_space<semaphore_mem>> -> memref<1x!tpu.dma_semaphore, #tpu.memory_space<semaphore_mem>>
    %dma_wait3A_59 = tpu.memref_squeeze %dma_wait3A_58 : memref<1x!tpu.dma_semaphore, #tpu.memory_space<semaphore_mem>> -> memref<!tpu.dma_semaphore, #tpu.memory_space<semaphore_mem>>
    %dma_wait3A_60 = arith.constant 0 : i32
    %dma_wait3A_61 = tpu.memref_slice %arg5[%mul3A_55, %dma_wait3A_60] : memref<4096x2048xf32, #tpu.memory_space<hbm>> -> memref<8x2048xf32, #tpu.memory_space<hbm>>
    tpu.wait_dma2 semaphore(%dma_wait3A_59 : memref<!tpu.dma_semaphore, #tpu.memory_space<semaphore_mem>>) src(%arg10 : memref<8x2048xf32, #tpu.memory_space<vmem>>) dst(%dma_wait3A_61 : memref<8x2048xf32, #tpu.memory_space<hbm>>)
    %add3A_62 = arith.constant 14 : i32
    %add3A_63 = arith.addi %mul3A_23, %add3A_62 : i32
    %add3A_64 = arith.constant 1 : i32
    %add3A_65 = arith.addi %add3A_63, %add3A_64 : i32
    %mul3A_66 = arith.constant 8 : i32
    %mul3A_67 = arith.muli %add3A_65, %mul3A_66 : i32
    %dma_wait3A_68 = arith.constant 1 : i32
    %dma_wait3A_69 = arith.constant 0 : i32
    %dma_wait3A_70 = tpu.memref_slice %arg5[%mul3A_67, %dma_wait3A_69] : memref<4096x2048xf32, #tpu.memory_space<hbm>> -> memref<8x2048xf32, #tpu.memory_space<hbm>>
    %dma_wait3A_71 = tpu.memref_slice %arg13[%dma_wait3A_68] : memref<2x!tpu.dma_semaphore, #tpu.memory_space<semaphore_mem>> -> memref<1x!tpu.dma_semaphore, #tpu.memory_space<semaphore_mem>>
    %dma_wait3A_72 = tpu.memref_squeeze %dma_wait3A_71 : memref<1x!tpu.dma_semaphore, #tpu.memory_space<semaphore_mem>> -> memref<!tpu.dma_semaphore, #tpu.memory_space<semaphore_mem>>
    %dma_wait3A_73 = arith.constant 0 : i32
    %dma_wait3A_74 = tpu.memref_slice %arg5[%mul3A_67, %dma_wait3A_73] : memref<4096x2048xf32, #tpu.memory_space<hbm>> -> memref<8x2048xf32, #tpu.memory_space<hbm>>
    tpu.wait_dma2 semaphore(%dma_wait3A_72 : memref<!tpu.dma_semaphore, #tpu.memory_space<semaphore_mem>>) src(%arg11 : memref<8x2048xf32, #tpu.memory_space<vmem>>) dst(%dma_wait3A_74 : memref<8x2048xf32, #tpu.memory_space<hbm>>)
    return
  }
}

</mosaic_0001>

<sc_bundles>
// kernel: kernel.3.cloned.1.call-start
scs
__scs_entry_jumppad:
0x0: {  	(pc) =	sbr.rel $0x88, $3  }
0x1: {  	(tag) =	ssettag $0x0;
	lr =	simm.s32 $0x1  }
0x2: {  	[smem:$0x3F9E] =	sst lr;
	_ =	strace $0xD0000000  }
0x3: {  	_ = 	snop  }
0x4: {  	_ = 	snop  }
0x5: {  	_ = 	snop  }
0x6: {  	_ = 	snop  }
0x7: {  	_ = 	snop  }
__scs_overlays_trampoline_lowered:
0x8: {  	[smem:$0x3FAD] =	sst s0  }
0x9: {  	[smem:$0x3FAE] =	sst s1  }
0xa: {  	[smem:$0x3FAF] =	sst s2  }
0xb: {  	[smem:$0x3FB0] =	sst s3  }
0xc: {  	[smem:$0x3FB1] =	sst s4  }
0xd: {  	[smem:$0x3FB2] =	sst s5  }
0xe: {  	[smem:$0x3FB3] =	sst s6  }
0xf: {  	[smem:$0x3FB4] =	sst s7  }
0x10: {  	[smem:$0x3FB5] =	sst s8  }
0x11: {  	[smem:$0x3FB6] =	sst s9;
	s0 =	simm.s32 @!p0 $0x0  }
0x12: {  	s1 =	sld [smem:$0x3F9C];
	s0 =	simm.s32 @p0 $0x1  }
0x13: {  	[smem:$0x3FB7] =	sst s0;
	s0 =	simm.s32 @!p1 $0x0  }
0x14: {  	s2 =	sld [smem:$0x3F9B];
	s0 =	simm.s32 @p1 $0x1  }
0x15: {  	[smem:$0x3FB8] =	sst s0;
	s0 =	simm.s32 @!p2 $0x0  }
0x16: {  	s3 =	sld [smem:$0x3FDB];
	s0 =	simm.s32 @p2 $0x1  }
0x17: {  	s4 =	simm.s32 $0x1BF5;
	[smem:$0x3FBA] =	sst s0  }
0x18: {  	s0 =	sld [smem:$0x3F9D];
	_ =	swait.ge [sflag:s4], $0x0  }
0x19: {  	s7 =	sld [smem:$0x3F9E]  }
0x1a: {  	s8 =	sadd.s32 $0xFFFFE003, lr  }
0x1b: {  	s9 =	sadd.s32 $0xFFFFFEF7, lr;
	s5 =	simm.s32 $0xFFFFFFFF;
	p2 =	slt.u32 s8, $0xFFFFF086  }
0x1c: {  	p1 =	slt.u32 s9, $0xF7A;
	s5 =	simm.s32 @!p2 $0x0  }
0x1d: {  	s5 =	simm.s32 @p1 $0x1;
	p0 =	seq.s32 s7, s2  }
0x1e: {  	s7 =	smul.u32 @!p0 $0xF7A, s2;
	p2 =	seq.s32 @!p0 s5, $0x0  }
0x1f: {  	s9 =	smul.u32 $0xF7A, s1;
	s8 =	simm.s32 @!p0 $0x1BF5;
	p2 =	por !p2, p0  }
0x20: {  	[sflag:s8] =	ssyncset.s32 @!p0 $0xFFFFF086;
	s6 =	sadd.s32 @!p0 s3, s7;
	s7 =	simm.s32 @!p0 $0x108  }
0x21: {  	s3 =	sadd.s32 s3, s9;
	s6 =	sadd.s32 @!p0 $0x88, s6;
	s7 =	simm.s32 @p2 $0x1082  }
0x22: {  	[simem:s7], [sflag:s8] =	dma.local @!p0 [hbm:s6], $0xF7A  }
0x23: {  	s9 =	sor.u32 $0xD0000000, s2;
	s6 =	simm.s32 $0x108;
	_ =	swait.ge @!p0 [sflag:s8], $0x0  }
0x24: {  	s3 =	sadd.s32 $0x88, s3;
	s6 =	simm.s32 @!p1 $0x1082;
	[sflag:s4] =	ssyncset.s32 $0xFFFFF086  }
0x25: {  	[simem:s6], [sflag:s4] =	dma.local [hbm:s3], $0xF7A  }
0x26: {  	[smem:$0x3F9E] =	sst s1;
	(tag) =	ssettag s2;
	_ =	strace s9  }
0x27: {  	s1 =	sld [smem:$0x3FAE]  }
0x28: {  	s2 =	sld [smem:$0x3FAF]  }
0x29: {  	s4 =	sld [smem:$0x3FB1]  }
0x2a: {  	p0 =	seq.s32 s5, $0x0;
	s5 =	sld [smem:$0x3FB2]  }
0x2b: {  	s6 =	sld [smem:$0x3FB3]  }
0x2c: {  	s7 =	sld [smem:$0x3FB4]  }
0x2d: {  	s3 =	simm.s32 $0x108;
	s8 =	sld [smem:$0x3FB5]  }
0x2e: {  	s3 =	simm.s32 @!p0 $0x1082;
	s9 =	sld [smem:$0x3FB6]  }
0x2f: {  	lr =	sadd.s32 s0, s3;
	s0 =	sld [smem:$0x3FAD]  }
0x30: {  	s3 =	sld [smem:$0x3FB0]  }
0x31: {  	[smem:$0x3FB9] =	sst s10  }
0x32: {  	s10 =	sld [smem:$0x3FB7];
	_ =	sdelay $0x3  }
0x33: {  	p0 =	seq.s32 s10, $0x1;
	s10 =	sld [smem:$0x3FB9];
	_ =	sdelay $0x3  }
0x34: {  	[smem:$0x3FB9] =	sst s10  }
0x35: {  	s10 =	sld [smem:$0x3FB8];
	_ =	sdelay $0x3  }
0x36: {  	p1 =	seq.s32 s10, $0x1;
	s10 =	sld [smem:$0x3FB9];
	_ =	sdelay $0x3  }
0x37: {  	[smem:$0x3FB9] =	sst s10  }
0x38: {  	s10 =	sld [smem:$0x3FBA]  }
0x39: {  	_ = 	snop;
	(pc) =	sbr.ind lr, $3  }
0x3a: {  	_ = 	snop  }
0x3b: {  	_ = 	snop  }
0x3c: {  	p2 =	seq.s32 s10, $0x1;
	s10 =	sld [smem:$0x3FB9]  }
0x3d: {  	_ =	shalt  }
0x3e: {  	_ =	shalt  }
0x3f: {  	_ =	shalt  }
0x40: {  	_ =	shalt  }
0x41: {  	_ =	shalt  }
0x42: {  	_ =	shalt  }
0x43: {  	_ =	shalt  }
0x44: {  	_ =	shalt  }
0x45: {  	_ =	shalt  }
0x46: {  	_ =	shalt  }
0x47: {  	_ =	shalt  }
0x48: {  	_ =	shalt  }
0x49: {  	_ =	shalt  }
0x4a: {  	_ =	shalt  }
0x4b: {  	_ =	shalt  }
0x4c: {  	_ =	shalt  }
0x4d: {  	_ =	shalt  }
0x4e: {  	_ =	shalt  }
0x4f: {  	_ =	shalt  }
0x50: {  	_ =	shalt  }
0x51: {  	_ =	shalt  }
0x52: {  	_ =	shalt  }
0x53: {  	_ =	shalt  }
0x54: {  	_ =	shalt  }
0x55: {  	_ =	shalt  }
0x56: {  	_ =	shalt  }
0x57: {  	_ =	shalt  }
0x58: {  	_ =	shalt  }
0x59: {  	_ =	shalt  }
0x5a: {  	_ =	shalt  }
0x5b: {  	_ =	shalt  }
0x5c: {  	_ =	shalt  }
0x5d: {  	_ =	shalt  }
0x5e: {  	_ =	shalt  }
0x5f: {  	_ =	shalt  }
0x60: {  	_ =	shalt  }
0x61: {  	_ =	shalt  }
0x62: {  	_ =	shalt  }
0x63: {  	_ =	shalt  }
0x64: {  	_ =	shalt  }
0x65: {  	_ =	shalt  }
0x66: {  	_ =	shalt  }
0x67: {  	_ =	shalt  }
0x68: {  	_ =	shalt  }
0x69: {  	_ =	shalt  }
0x6a: {  	_ =	shalt  }
0x6b: {  	_ =	shalt  }
0x6c: {  	_ =	shalt  }
0x6d: {  	_ =	shalt  }
0x6e: {  	_ =	shalt  }
0x6f: {  	_ =	shalt  }
0x70: {  	_ =	shalt  }
0x71: {  	_ =	shalt  }
0x72: {  	_ =	shalt  }
0x73: {  	_ =	shalt  }
0x74: {  	_ =	shalt  }
0x75: {  	_ =	shalt  }
0x76: {  	_ =	shalt  }
0x77: {  	_ =	shalt  }
0x78: {  	_ =	shalt  }
0x79: {  	_ =	shalt  }
0x7a: {  	_ =	shalt  }
0x7b: {  	_ =	shalt  }
0x7c: {  	_ =	shalt  }
0x7d: {  	_ =	shalt  }
0x7e: {  	_ =	shalt  }
0x7f: {  	_ =	shalt  }
0x80: {  	_ =	shalt  }
0x81: {  	_ =	shalt  }
0x82: {  	_ =	shalt  }
0x83: {  	_ =	shalt  }
0x84: {  	_ =	shalt  }
0x85: {  	_ =	shalt  }
0x86: {  	_ =	shalt  }
0x87: {  	_ =	shalt  }
.Lfunc_end0:
.L_simem_size_0:
called_computation_lowered:
.L_overlay_start_0:
0x88: {  	s2 =	sld [smem:$0x3FD9]  }
0x89: {  	s3 =	sld [smem:$0x3FFE];
	_ =	sdelay $0x1  }
0x8a: {  	s1 =	srdreg.scid  }
0x8b: {  	s0 =	sand.u32 $0x1, s1  }
0x8c: {  	s18 =	sshll.u32 s0, $0xA;
	s2 =	sadd.s32 s3, s2  }
0x8d: {  	s2 =	sadd.s32 s2, s18  }
0x8e: {  	[smem:$0x3FC5] =	sst s2  }
0x8f: {  	_ = 	snop  }
0x90: {  	s2 =	sld [smem:$0x3FC9]  }
0x91: {  	s19 =	sld [smem:$0x3FC8]  }
0x92: {  	s4 =	sld [smem:$0x3FC7]  }
0x93: {  	s5 =	sld [smem:$0x3FD0];
	(tm) =	ssettm $0x1  }
0x94: {  	s6 =	sld [smem:$0x3FFB];
	_ =	sdelay $0x3  }
0x95: {  	_ =	strace s6  }
0x96: {  	s6 =	sld [smem:$0x3FFC];
	_ =	sdelay $0x3  }
0x97: {  	_ =	strace s6  }
0x98: {  	s6 =	sld [smem:$0x3FFD];
	_ =	sdelay $0x3  }
0x99: {  	_ =	strace s6  }
0x9a: {  	_ =	strace $0x8FFFFFFF  }
0x9b: {  	s20 =	sld [smem:$0x3FDB];
	_ =	sdelay $0x1  }
0x9c: {  	s7 =	simm.s32 $_scs_section_size  }
0x9d: {  	s8 =	simm.s32 $_size__tile_overlayer_lowered;
	s9 =	simm.s32 $_tile_overlayer_lowered  }
0x9e: {  	s23 =	simm.s32 $0x1BFF;
	s22 =	sshll.u32 s9, $0x1;
	s6 =	sadd.s32 s7, s20  }
0x9f: {  	s10 =	simm.s32 $0x0;
	s21 =	sshll.u32 s8, $0x1;
	s8 =	sadd.s32 s22, s6  }
0xa0: {  	[timem:s10], [sflag:s23] =	dma.local [hbm:s8], s21  }
0xa1: {  	_ =	swait.ge [sflag:s23], s21  }
0xa2: {  	s7 =	ssub.s32 $0x0, s21;
	[sflag:s23] =	ssyncset.done $0x0  }
0xa3: {  	[sflag:s23] =	ssyncadd.s32 s7;
	_ =	sdelay $0x1  }
0xa4: {  	s24 =	simm.s32 $0x1B8B  }
0xa5: {  	_ =	swait.ge [sflag:s24], $0x1  }
0xa6: {  	[sflag:s24] =	ssyncset.done $0x0  }
0xa7: {  	s25 =	simm.s32 $0x1B8E;
	[sflag:s24] =	ssyncadd.s32 $0xFFFFFFFF  }
0xa8: {  	s26 =	simm.s32 $execute0_lowered;
	[smem:$0x3FD2] =	sst s25  }
0xa9: {  	s7 =	sshll.u32 s26, $0x1;
	_ =	strace $0x80000046;
	[dreg:$0x1] =	wrdreg $0xFFFFFFFF  }
0xaa: {  	s28 =	simm.s32 $_size_execute0_lowered;
	s6 =	sadd.s32 s6, s7;
	[dreg:$0x0] =	wrdreg $0x0  }
0xab: {  	s7 =	sshll.u32 s28, $0x1;
	[dreg:$0x2] =	wrdreg s6  }
0xac: {  	[dreg:$0x3] =	wrdreg s7  }
0xad: {  	[dreg:$0x4] =	wrdreg $0xC0  }
0xae: {  	_ =	task [dreg:s10], $0x5FFFF  }
0xaf: {  	[dreg:$0x1] =	wrdreg $0xFFFFFFFF  }
0xb0: {  	[dreg:$0x0] =	wrdreg $0x60  }
0xb1: {  	[dreg:$0x2] =	wrdreg s2  }
0xb2: {  	[dreg:$0x3] =	wrdreg s19  }
0xb3: {  	[dreg:$0x4] =	wrdreg s4  }
0xb4: {  	[dreg:$0x5] =	wrdreg s5  }
0xb5: {  	[dreg:$0x6] =	wrdreg $0x9  }
0xb6: {  	_ =	task.clear_ibuf [dreg:s10], $0x7FFFF;
	_ =	strace $0x90000046  }
0xb7: {  	s29 =	simm.s32 $0x9;
	_ =	strace $0x80000048  }
0xb8: {  	_ =	swait.ge [sflag:s29], $0x1  }
0xb9: {  	[sflag:s29] =	ssyncadd.s32 $0xFFFFFFFF  }
0xba: {  	_ =	strace $0x90000048  }
0xbb: {  	_ =	sfence  }
0xbc: {  	s30 =	sld [smem:$0x0];
	_ =	sdelay $0x2  }
0xbd: {  	s31 =	sshll.u32 s1, $0xD;
	s1 =	sshrl.u32 s1, $0x2  }
0xbe: {  	s3 =	sand.u32 $0x4000, s31;
	s1 =	sadd.s32 s1, s30  }
0xbf: {  	s0 =	sor.u32 s3, s0;
	s1 =	sshll.u32 s1, $0x11  }
0xc0: {  	s0 =	sor.u32 s1, s0  }
0xc1: {  	s0 =	sadd.s32 $0x8F2B, s0  }
0xc2: {  	[sflag:s0] =	ssyncadd.remote.s32 $0x1  }
0xc3: {  	_ =	sfence.sel $0xFFFF  }
0xc4: {  	[dreg:$0x0] =	wrdreg $0xFFFFFFFF;
	(pc) =	sbr.abs _section_cstart, $3  }
0xc5: {  	[dreg:$0x1] =	wrdreg $0xFFFFFFFF  }
0xc6: {  	_ =	task.clear_ibuf [dreg:s10], $0x2FFFF;
	_ =	strace $0x9FFFFFFF  }
0xc7: {  	(tm) =	ssettm $0x7FFFFFFF  }
tec
execute0_lowered:
.L_overlay_start_1:
0x0: {  	(tag) =	ssettag $0x1  }
0x1: {  	s1 =	rddreg [dreg:$0x0]  }
0x2: {  	s5 =	rddreg [dreg:$0x3]  }
0x3: {  	s0 =	srdreg.scid;
	s2 =	stileid.u32  }
0x4: {  	s6 =	simm.s32 $0x0;
	s14 =	simm.s32 $0x5;
	s16 =	simm.s32 $0x100  }
0x5: {  	s17 =	simm.s32 $0x4100;
	s18 =	simm.s32 $0x1;
	s19 =	simm.s32 $0x8100  }
0x6: {  	s20 =	simm.s32 $0x2;
	s21 =	simm.s32 $0x4;
	s22 =	simm.s32 $0xC100  }
0x7: {  	s23 =	simm.s32 $0x3;
	s24 =	simm.s32 $0x0;
	s0 =	sand.u32 $0x1, s0  }
.Ltmp0:
0x8: {  	s2 =	sshll.u32 s2, $0x1;
	[smem:$0x7FF] =	sst s6;
	(pc) =	sbr.rel .LBB2_1-.Ltmp0, $4  }
0x9: {  	s11 =	sadd.s32 $0x800, s5;
	s3 =	ssub.s32 $0x2, s0;
	s0 =	sor.u32 s0, s2  }
0xa: {  	_ =	strace $0x80000047;
	s31 =	sshrl.u32 s3, $0x1;
	s7 =	sshll.u32 s0, $0xF  }
0xb: {  	s8 =	sshll.u32 s0, $0x4;
	s2 =	ssub.s32 s3, s31;
	s9 =	sadd.s32 s1, s7  }
0xc: {  	s12 =	sor.u32 $0x1, s8;
	s10 =	sadd.s32 $0x800, s9;
	s13 =	smax.u32 s2, $0x1  }
.LBB2_16:
0xd: {  	s24 =	sadd.s32 $0x1, s24  }
0xe: {  	_ =	swait.ge [sflag:s23], $0x4000;
	p0 =	sne.s32 s24, s13  }
.Ltmp1:
0xf: {  	[sflag:s23] =	ssyncset.done $0x0;
	(pc) =	sbr.rel @!p0 .LBB2_17-.Ltmp1, $4  }
0x10: {  	[sflag:s23] =	ssyncadd.s32 $0xFFFFC000  }
0x11: {  	_ =	swait.ge [sflag:s21], $0x4000  }
0x12: {  	[sflag:s21] =	ssyncset.done $0x0  }
0x13: {  	[sflag:s21] =	ssyncadd.s32 $0xFFFFC000  }
.LBB2_1:
0x14: {  	s0 =	rddreg [dreg:$0x1]  }
0x15: {  	[tilespmem:s6], [sflag:$0x5] =	stream.linear.gather [hbm4b:s0+s6], $0x80, $0x38;
	[tilespmem:$0x10100] =	vst v63  }
0x16: {  	_ =	swait.ge [sflag:s14], $0x80  }
0x17: {  	[sflag:s14] =	ssyncset.done $0x0  }
0x18: {  	[sflag:s14] =	ssyncadd.s32 $0xFFFFFF80  }
0x19: {  	s2 =	simm.s32 $0x80;
	s31 =	rddreg [dreg:$0x2]  }
0x1a: {  	[tilespmem:s2], [sflag:$0x5] =	stream.linear.gather [hbm4b:s31+s6], $0x80, $0x38;
	[tilespmem:$0x10100] =	vst v63  }
0x1b: {  	_ =	swait.ge [sflag:s14], $0x80  }
0x1c: {  	[sflag:s14] =	ssyncset.done $0x0  }
0x1d: {  	[sflag:s14] =	ssyncadd.s32 $0xFFFFFF80  }
0x1e: {  	v0 =	vld [tilespmem:$0x0];
	_ =	sdelay $0x4  }
0x1f: {  	(xrf0) =	vmin.scan.msk.f32 $0xffff, v0  }
0x20: {  	(xrf0) =	vmax.scan.msk.f32 $0xffff, v0;
	_ =	sdelay $0x4  }
0x21: {  	v0, _, _ =	vpop (xrf0)  }
0x22: {  	v1, _, _ =	vpop (xrf0)  }
0x23: {  	v1 =	vsub.f32 v1, v0;
	_ =	sdelay $0x1  }
0x24: {  	v1 =	vbroadcast v1, $0xF;
	_ =	sdelay $0x1  }
0x25: {  	(erf) = vrcp.f32 v1;
	_ =	sdelay $0x7  }
0x26: {  	v2 =	vsub.f32 $0.0e+00, v0  }
0x27: {  	v1 =	vpop (erf)  }
0x28: {  	v2 =	vbroadcast v2, $0xF;
	v1 =	vmul.f32 $1.500000000e+01, v1  }
0x29: {  	s25 =	simm.s32 $0x0;
	s0 =	smov.u32 s10;
	v0 =	vld [tilespmem:$0x80]  }
0x2a: {  	[tilespmem:s16], [sflag:$0x1] =	stream.linear.gather [hbm4b:s9+s6], $0x4000, $0x38;
	v2 =	vmul.f32 v1, v2;
	[tilespmem:$0x10100] =	vst v63  }
.LBB2_2:
0x2b: {  	[tilespmem:s17], [sflag:$0x2] =	stream.linear.gather [hbm4b:s0+s6], $0x4000, $0x38;
	[tilespmem:$0x10100] =	vst v63  }
0x2c: {  	_ =	swait.ge [sflag:s18], $0x4000  }
0x2d: {  	p0 =	seq.s32 s25, $0x0;
	[sflag:s18] =	ssyncset.done $0x0  }
0x2e: {  	s0 =	simm.s32 @!p0 $0x3;
	[sflag:s18] =	ssyncadd.s32 $0xFFFFC000  }
0x2f: {  	_ =	swait.ge @!p0 [sflag:s0], $0x4000  }
0x30: {  	s26 =	simm.s32 $0x0;
	[sflag:s0] =	ssyncset.done @!p0 $0x0  }
0x31: {  	s28 =	simm.s32 $0x8140;
	s29 =	simm.s32 $0x140;
	[sflag:s0] =	ssyncadd.s32 @!p0 $0xFFFFC000  }
.LBB2_3:
0x32: {  	v3 =	vld [tilespmem:s29+$0xFFFFFFE0]  }
0x33: {  	v4 =	vld [tilespmem:s29+$0x0]  }
0x34: {  	v5 =	vld [tilespmem:s29+$0x20]  }
0x35: {  	v6 =	vld [tilespmem:s29+$0x30]  }
0x36: {  	v7 =	vld [tilespmem:s29+$0xFFFFFFD0]  }
0x37: {  	v8 =	vld [tilespmem:s29+$0x10]  }
0x38: {  	v9 =	vld [tilespmem:s29+$0xFFFFFFF0]  }
0x39: {  	v10 =	vld [tilespmem:s29+$0xFFFFFFC0];
	s3 =	sadd.s32 $0x400, s29  }
0x3a: {  	v11 =	vld [tilespmem:s3+$0x0];
	v3 =	vmul.f32 v3, v1  }
0x3b: {  	v13 =	vld [tilespmem:s3+$0x20];
	v4 =	vmul.f32 v4, v1;
	v5 =	vmul.f32 v5, v1  }
0x3c: {  	v12 =	vld [tilespmem:s3+$0xFFFFFFE0];
	v6 =	vmul.f32 v6, v1;
	v8 =	vmul.f32 v8, v1  }
0x3d: {  	v15 =	vld [tilespmem:s3+$0xFFFFFFD0];
	v7 =	vmul.f32 v7, v1;
	v9 =	vmul.f32 v9, v1  }
0x3e: {  	v10 =	vmul.f32 v10, v1;
	v3 =	vadd.f32 v3, v2;
	v4 =	vadd.f32 v4, v2  }
0x3f: {  	v11 =	vmul.f32 v11, v1;
	v5 =	vadd.f32 v5, v2;
	v6 =	vadd.f32 v6, v2  }
0x40: {  	v13 =	vmul.f32 v13, v1;
	v8 =	vadd.f32 v8, v2;
	v7 =	vadd.f32 v7, v2  }
0x41: {  	v12 =	vmul.f32 v12, v1;
	v9 =	vadd.f32 v9, v2;
	v10 =	vadd.f32 v10, v2  }
0x42: {  	v61 =	vmul.f32 v15, v1;
	v11 =	vadd.f32 v11, v2;
	v13 =	vadd.f32 v13, v2  }
0x43: {  	v3 =	vmax.f32 v3, $0.0e+00;
	v4 =	vmax.f32 v4, $0.0e+00;
	v5 =	vmax.f32 v5, $0.0e+00  }
0x44: {  	v8 =	vmax.f32 v8, $0.0e+00;
	v6 =	vmax.f32 v6, $0.0e+00;
	v7 =	vmax.f32 v7, $0.0e+00  }
0x45: {  	v9 =	vmax.f32 v9, $0.0e+00;
	v3 =	vmin.f32 v3, $1.500000000e+01;
	v5 =	vmin.f32 v5, $1.500000000e+01  }
0x46: {  	v4 =	vmin.f32 v4, $1.500000000e+01;
	v3 =	vadd.f32 $8.388608000e+06, v3;
	v5 =	vadd.f32 $8.388608000e+06, v5  }
0x47: {  	v10 =	vmax.f32 v10, $0.0e+00;
	v8 =	vmin.f32 v8, $1.500000000e+01;
	v4 =	vadd.f32 $8.388608000e+06, v4  }
0x48: {  	v14 =	vld [tilespmem:s3+$0x30];
	v3 =	vperm.xlane v0, v3;
	v17 =	vperm.xlane v0, v5;
	v5 =	vadd.f32 v12, v2  }
0x49: {  	v60 =	vld [tilespmem:s3+$0xFFFFFFF0];
	v6 =	vmin.f32 v6, $1.500000000e+01;
	v7 =	vmin.f32 v7, $1.500000000e+01;
	v8 =	vadd.f32 $8.388608000e+06, v8  }
0x4a: {  	v16 =	vld [tilespmem:s3+$0x10];
	v6 =	vadd.f32 $8.388608000e+06, v6;
	v4 =	vperm.xlane v0, v4;
	[tilespmem:s28+$0xFFFFFFE0] =	vst v3;
	v3 =	vmax.f32 v5, $0.0e+00  }
0x4b: {  	v7 =	vadd.f32 $8.388608000e+06, v7;
	v5 =	vmin.f32 v3, $1.500000000e+01;
	v3 =	vperm.xlane v0, v8  }
0x4c: {  	v9 =	vmin.f32 v9, $1.500000000e+01;
	v11 =	vmax.f32 v11, $0.0e+00;
	v6 =	vperm.xlane v0, v6;
	[tilespmem:s28+$0x0] =	vst v4  }
0x4d: {  	v10 =	vmin.f32 v10, $1.500000000e+01;
	v9 =	vadd.f32 $8.388608000e+06, v9;
	v7 =	vperm.xlane v0, v7;
	[tilespmem:s28+$0x10] =	vst v3;
	v3 =	vld [tilespmem:s3+$0xFFFFFFC0]  }
0x4e: {  	v62 =	vadd.f32 $8.388608000e+06, v10;
	v12 =	vmul.f32 v60, v1;
	v4 =	vmul.f32 v14, v1;
	[tilespmem:s28+$0x30] =	vst v6  }
0x4f: {  	v10 =	vmin.f32 v11, $1.500000000e+01;
	v63 =	vperm.xlane v0, v9;
	[tilespmem:s28+$0x20] =	vst v17;
	v8 =	vmul.f32 v16, v1  }
0x50: {  	s2 =	simm.s32 $0x80;
	v9 =	vadd.f32 v61, v2;
	[tilespmem:s28+$0xFFFFFFD0] =	vst v7;
	v7 =	vperm.xlane v0, v62;
	v6 =	vadd.f32 v4, v2  }
0x51: {  	s0 =	sadd.s32 $0x400, s28;
	s4 =	sadd.s32 $0x400, s3;
	v11 =	vmax.f32 v13, $0.0e+00;
	[tilespmem:s28+$0xFFFFFFF0] =	vst v63;
	v4 =	vadd.f32 v12, v2;
	v8 =	vadd.f32 v8, v2;
	s3 =	smov.u32 s28  }
.LBB2_4:
0x52: {  	v12 =	vld [tilespmem:s4+$0x0];
	s2 =	sadd.s32 $0x80, s2;
	v13 =	vmul.f32 v3, v1;
	v5 =	vadd.f32 $8.388608000e+06, v5;
	v10 =	vadd.f32 $8.388608000e+06, v10;
	[tilespmem:s3+$0xFFFFFFC0] =	vst v7;
	s3 =	smov.u32 s0;
	s0 =	sadd.s32 $0x400, s0  }
0x53: {  	v3 =	vmax.f32 v8, $0.0e+00;
	v8 =	vmin.f32 v11, $1.500000000e+01;
	v6 =	vmax.f32 v6, $0.0e+00;
	v7 =	vld [tilespmem:s4+$0xFFFFFFE0];
	p1 =	slt.u32 s2, $0x780  }
0x54: {  	v9 =	vmax.f32 v9, $0.0e+00;
	v14 =	vmin.f32 v3, $1.500000000e+01;
	v6 =	vmin.f32 v6, $1.500000000e+01;
	v11 =	vld [tilespmem:s4+$0x20]  }
0x55: {  	v9 =	vmin.f32 v9, $1.500000000e+01;
	v10 =	vperm.xlane v0, v10;
	v6 =	vadd.f32 $8.388608000e+06, v6;
	v3 =	vld [tilespmem:s4+$0xFFFFFFC0]  }
0x56: {  	v8 =	vadd.f32 $8.388608000e+06, v8;
	v5 =	vperm.xlane v0, v5;
	v9 =	vadd.f32 $8.388608000e+06, v9;
	v15 =	vld [tilespmem:s4+$0x30]  }
0x57: {  	v6 =	vperm.xlane v0, v6;
	v16 =	vld [tilespmem:s4+$0xFFFFFFD0];
	v12 =	vmul.f32 v12, v1;
	[tilespmem:s3+$0x0] =	vst v10;
	v10 =	vadd.f32 $8.388608000e+06, v14  }
0x58: {  	v13 =	vadd.f32 v13, v2;
	v9 =	vperm.xlane v0, v9;
	v7 =	vmul.f32 v7, v1;
	[tilespmem:s3+$0xFFFFFFE0] =	vst v5  }
0x59: {  	v4 =	vmax.f32 v4, $0.0e+00;
	v8 =	vperm.xlane v0, v8;
	v5 =	vadd.f32 v12, v2;
	v12 =	vld [tilespmem:s4+$0x10]  }
0x5a: {  	v4 =	vmin.f32 v4, $1.500000000e+01;
	v11 =	vmul.f32 v11, v1;
	v7 =	vadd.f32 v7, v2;
	v14 =	vld [tilespmem:s4+$0xFFFFFFF0];
	[tilespmem:s3+$0x30] =	vst v6  }
0x5b: {  	v4 =	vadd.f32 $8.388608000e+06, v4;
	v13 =	vmax.f32 v13, $0.0e+00;
	v6 =	vmul.f32 v15, v1;
	[tilespmem:s3+$0x20] =	vst v8  }
0x5c: {  	v13 =	vmin.f32 v13, $1.500000000e+01;
	v8 =	vmax.f32 v5, $0.0e+00;
	v7 =	vmax.f32 v7, $0.0e+00;
	[tilespmem:s3+$0xFFFFFFD0] =	vst v9  }
.Ltmp2:
0x5d: {  	v11 =	vadd.f32 v11, v2;
	v5 =	vmin.f32 v7, $1.500000000e+01;
	v7 =	vperm.xlane v0, v10;
	(pc) =	sbr.rel @p1 .LBB2_4-.Ltmp2, $4  }
0x5e: {  	v13 =	vadd.f32 $8.388608000e+06, v13;
	v9 =	vmul.f32 v16, v1;
	v12 =	vmul.f32 v12, v1  }
0x5f: {  	v15 =	vperm.xlane v0, v4;
	v6 =	vadd.f32 v6, v2;
	v14 =	vmul.f32 v14, v1;
	[tilespmem:s3+$0x10] =	vst v7  }
0x60: {  	v10 =	vmin.f32 v8, $1.500000000e+01;
	v7 =	vperm.xlane v0, v13;
	v8 =	vadd.f32 v12, v2  }
0x61: {  	s4 =	sadd.s32 $0x400, s4;
	v11 =	vmax.f32 v11, $0.0e+00;
	v9 =	vadd.f32 v9, v2;
	v4 =	vadd.f32 v14, v2;
	[tilespmem:s3+$0xFFFFFFF0] =	vst v15  }
0x62: {  	v3 =	vmul.f32 v3, v1  }
0x63: {  	v5 =	vadd.f32 $8.388608000e+06, v5;
	v10 =	vadd.f32 $8.388608000e+06, v10;
	v8 =	vmax.f32 v8, $0.0e+00  }
0x64: {  	v11 =	vmin.f32 v11, $1.500000000e+01;
	v6 =	vmax.f32 v6, $0.0e+00;
	v9 =	vmax.f32 v9, $0.0e+00  }
0x65: {  	v8 =	vmin.f32 v8, $1.500000000e+01;
	v6 =	vmin.f32 v6, $1.500000000e+01;
	v60 =	vadd.f32 $8.388608000e+06, v11  }
0x66: {  	v4 =	vmax.f32 v4, $0.0e+00;
	v9 =	vmin.f32 v9, $1.500000000e+01;
	v10 =	vperm.xlane v0, v10  }
0x67: {  	[tilespmem:s3+$0xFFFFFFC0] =	vst v7;
	v6 =	vadd.f32 $8.388608000e+06, v6;
	v5 =	vperm.xlane v0, v5;
	v3 =	vadd.f32 v3, v2  }
0x68: {  	v8 =	vadd.f32 $8.388608000e+06, v8;
	v4 =	vmin.f32 v4, $1.500000000e+01;
	v61 =	vperm.xlane v0, v60;
	[tilespmem:s0+$0x0] =	vst v10  }
0x69: {  	s26 =	sadd.s32 $0x1, s26;
	v9 =	vadd.f32 $8.388608000e+06, v9;
	v6 =	vperm.xlane v0, v6;
	[tilespmem:s0+$0xFFFFFFE0] =	vst v5;
	v3 =	vmax.f32 v3, $0.0e+00  }
0x6a: {  	p1 =	sne.s32 s26, $0x8;
	v4 =	vadd.f32 $8.388608000e+06, v4;
	v63 =	vperm.xlane v0, v8;
	v3 =	vmin.f32 v3, $1.500000000e+01;
	[tilespmem:s0+$0x20] =	vst v61  }
.Ltmp3:
0x6b: {  	v62 =	vperm.xlane v0, v9;
	[tilespmem:s0+$0x30] =	vst v6;
	v3 =	vadd.f32 $8.388608000e+06, v3;
	(pc) =	sbr.rel @p1 .LBB2_3-.Ltmp3, $4  }
0x6c: {  	v4 =	vperm.xlane v0, v4;
	[tilespmem:s0+$0x10] =	vst v63  }
0x6d: {  	[tilespmem:s0+$0xFFFFFFD0] =	vst v62;
	v3 =	vperm.xlane v0, v3  }
0x6e: {  	[tilespmem:s0+$0xFFFFFFF0] =	vst v4  }
0x6f: {  	s28 =	sadd.s32 $0x80, s28;
	s29 =	sadd.s32 $0x80, s29;
	[tilespmem:s0+$0xFFFFFFC0] =	vst v3  }
0x70: {  	p1 =	sne.s32 s25, $0x7  }
.Ltmp4:
0x71: {  	_ = 	snop;
	(pc) =	sbr.rel @p1 .LBB2_8-.Ltmp4, $4  }
0x72: {  	s0 =	sshll.u32 s25, $0xC  }
0x73: {  	s26 =	sadd.s32 $0x1, s25;
	s29 =	sadd.s32 s7, s0  }
0x74: {  	s28 =	sshll.u32 s26, $0x1;
	s0 =	sadd.s32 s5, s29  }
0x75: {  	[hbm4b:s0+s6] =	stream.linear.scatter [tilespmem:s19], [sflag:$0x3], $0x4000, $0x38;
	[tilespmem:$0x10100] =	vst v63  }
.Ltmp5:
0x76: {  	(pc) =	sbr.rel .LBB2_9-.Ltmp5, $4  }
0x77: {  	_ = 	snop  }
0x78: {  	_ =	swait.ge [sflag:s20], $0x4000  }
0x79: {  	[sflag:s20] =	ssyncset.done $0x0  }
0x7a: {  	[sflag:s20] =	ssyncadd.s32 $0xFFFFC000  }
.LBB2_8:
0x7b: {  	s0 =	sadd.s32 s8, s28  }
0x7c: {  	s0 =	sshll.u32 s0, $0xB  }
0x7d: {  	s0 =	sand.u32 $0x1FFFF000, s0  }
.Ltmp6:
0x7e: {  	s0 =	sadd.s32 s1, s0;
	(pc) =	sbr.rel @p0 .LBB2_10-.Ltmp6, $4  }
0x7f: {  	[tilespmem:s16], [sflag:$0x1] =	stream.linear.gather [hbm4b:s0+s6], $0x4000, $0x38;
	[tilespmem:$0x10100] =	vst v63  }
0x80: {  	_ =	swait.ge [sflag:s20], $0x4000  }
0x81: {  	[sflag:s20] =	ssyncset.done $0x0  }
0x82: {  	[sflag:s20] =	ssyncadd.s32 $0xFFFFC000  }
.LBB2_9:
0x83: {  	_ =	swait.ge [sflag:s21], $0x4000  }
0x84: {  	[sflag:s21] =	ssyncset.done $0x0  }
0x85: {  	[sflag:s21] =	ssyncadd.s32 $0xFFFFC000  }
.LBB2_10:
0x86: {  	s30 =	simm.s32 $0x0;
	s2 =	simm.s32 $0xC140;
	s0 =	simm.s32 $0x4140  }
.LBB2_11:
0x87: {  	v3 =	vld [tilespmem:s0+$0xFFFFFFE0]  }
0x88: {  	v4 =	vld [tilespmem:s0+$0x0]  }
0x89: {  	v5 =	vld [tilespmem:s0+$0x20]  }
0x8a: {  	v6 =	vld [tilespmem:s0+$0x30]  }
0x8b: {  	v7 =	vld [tilespmem:s0+$0xFFFFFFD0]  }
0x8c: {  	v8 =	vld [tilespmem:s0+$0x10]  }
0x8d: {  	v9 =	vld [tilespmem:s0+$0xFFFFFFF0]  }
0x8e: {  	v10 =	vld [tilespmem:s0+$0xFFFFFFC0];
	s15 =	sadd.s32 $0x400, s0  }
0x8f: {  	v11 =	vld [tilespmem:s15+$0x0];
	v3 =	vmul.f32 v3, v1  }
0x90: {  	v13 =	vld [tilespmem:s15+$0x20];
	v4 =	vmul.f32 v4, v1;
	v5 =	vmul.f32 v5, v1  }
0x91: {  	v12 =	vld [tilespmem:s15+$0xFFFFFFE0];
	v6 =	vmul.f32 v6, v1;
	v8 =	vmul.f32 v8, v1  }
0x92: {  	v15 =	vld [tilespmem:s15+$0xFFFFFFD0];
	v7 =	vmul.f32 v7, v1;
	v9 =	vmul.f32 v9, v1  }
0x93: {  	v10 =	vmul.f32 v10, v1;
	v3 =	vadd.f32 v3, v2;
	v4 =	vadd.f32 v4, v2  }
0x94: {  	v11 =	vmul.f32 v11, v1;
	v5 =	vadd.f32 v5, v2;
	v6 =	vadd.f32 v6, v2  }
0x95: {  	v13 =	vmul.f32 v13, v1;
	v8 =	vadd.f32 v8, v2;
	v7 =	vadd.f32 v7, v2  }
0x96: {  	v12 =	vmul.f32 v12, v1;
	v9 =	vadd.f32 v9, v2;
	v10 =	vadd.f32 v10, v2  }
0x97: {  	v61 =	vmul.f32 v15, v1;
	v11 =	vadd.f32 v11, v2;
	v13 =	vadd.f32 v13, v2  }
0x98: {  	v3 =	vmax.f32 v3, $0.0e+00;
	v4 =	vmax.f32 v4, $0.0e+00;
	v5 =	vmax.f32 v5, $0.0e+00  }
0x99: {  	v8 =	vmax.f32 v8, $0.0e+00;
	v6 =	vmax.f32 v6, $0.0e+00;
	v7 =	vmax.f32 v7, $0.0e+00  }
0x9a: {  	v9 =	vmax.f32 v9, $0.0e+00;
	v3 =	vmin.f32 v3, $1.500000000e+01;
	v5 =	vmin.f32 v5, $1.500000000e+01  }
0x9b: {  	v4 =	vmin.f32 v4, $1.500000000e+01;
	v3 =	vadd.f32 $8.388608000e+06, v3;
	v5 =	vadd.f32 $8.388608000e+06, v5  }
0x9c: {  	v10 =	vmax.f32 v10, $0.0e+00;
	v8 =	vmin.f32 v8, $1.500000000e+01;
	v4 =	vadd.f32 $8.388608000e+06, v4  }
0x9d: {  	v14 =	vld [tilespmem:s15+$0x30];
	v3 =	vperm.xlane v0, v3;
	v17 =	vperm.xlane v0, v5;
	v5 =	vadd.f32 v12, v2  }
0x9e: {  	v60 =	vld [tilespmem:s15+$0xFFFFFFF0];
	v6 =	vmin.f32 v6, $1.500000000e+01;
	v7 =	vmin.f32 v7, $1.500000000e+01;
	v8 =	vadd.f32 $8.388608000e+06, v8  }
0x9f: {  	v16 =	vld [tilespmem:s15+$0x10];
	v6 =	vadd.f32 $8.388608000e+06, v6;
	v4 =	vperm.xlane v0, v4;
	[tilespmem:s2+$0xFFFFFFE0] =	vst v3;
	v3 =	vmax.f32 v5, $0.0e+00  }
0xa0: {  	v7 =	vadd.f32 $8.388608000e+06, v7;
	v5 =	vmin.f32 v3, $1.500000000e+01;
	v3 =	vperm.xlane v0, v8  }
0xa1: {  	v9 =	vmin.f32 v9, $1.500000000e+01;
	v11 =	vmax.f32 v11, $0.0e+00;
	v6 =	vperm.xlane v0, v6;
	[tilespmem:s2+$0x0] =	vst v4  }
0xa2: {  	v10 =	vmin.f32 v10, $1.500000000e+01;
	v9 =	vadd.f32 $8.388608000e+06, v9;
	v7 =	vperm.xlane v0, v7;
	[tilespmem:s2+$0x10] =	vst v3;
	v3 =	vld [tilespmem:s15+$0xFFFFFFC0]  }
0xa3: {  	v62 =	vadd.f32 $8.388608000e+06, v10;
	v12 =	vmul.f32 v60, v1;
	v4 =	vmul.f32 v14, v1;
	[tilespmem:s2+$0x30] =	vst v6  }
0xa4: {  	v10 =	vmin.f32 v11, $1.500000000e+01;
	v63 =	vperm.xlane v0, v9;
	[tilespmem:s2+$0x20] =	vst v17;
	v8 =	vmul.f32 v16, v1  }
0xa5: {  	s4 =	simm.s32 $0x80;
	v9 =	vadd.f32 v61, v2;
	[tilespmem:s2+$0xFFFFFFD0] =	vst v7;
	v7 =	vperm.xlane v0, v62;
	v6 =	vadd.f32 v4, v2  }
0xa6: {  	s3 =	sadd.s32 $0x400, s2;
	s31 =	smov.u32 s2;
	v11 =	vmax.f32 v13, $0.0e+00;
	[tilespmem:s2+$0xFFFFFFF0] =	vst v63;
	v4 =	vadd.f32 v12, v2;
	v8 =	vadd.f32 v8, v2;
	s15 =	sadd.s32 $0x400, s15  }
.LBB2_12:
0xa7: {  	v12 =	vld [tilespmem:s15+$0x0];
	s4 =	sadd.s32 $0x80, s4;
	v13 =	vmul.f32 v3, v1;
	v5 =	vadd.f32 $8.388608000e+06, v5;
	v10 =	vadd.f32 $8.388608000e+06, v10;
	[tilespmem:s31+$0xFFFFFFC0] =	vst v7;
	s31 =	smov.u32 s3;
	s3 =	sadd.s32 $0x400, s3  }
0xa8: {  	v3 =	vmax.f32 v8, $0.0e+00;
	v8 =	vmin.f32 v11, $1.500000000e+01;
	v6 =	vmax.f32 v6, $0.0e+00;
	v7 =	vld [tilespmem:s15+$0xFFFFFFE0];
	p0 =	slt.u32 s4, $0x780  }
0xa9: {  	v9 =	vmax.f32 v9, $0.0e+00;
	v14 =	vmin.f32 v3, $1.500000000e+01;
	v6 =	vmin.f32 v6, $1.500000000e+01;
	v11 =	vld [tilespmem:s15+$0x20]  }
0xaa: {  	v9 =	vmin.f32 v9, $1.500000000e+01;
	v10 =	vperm.xlane v0, v10;
	v6 =	vadd.f32 $8.388608000e+06, v6;
	v3 =	vld [tilespmem:s15+$0xFFFFFFC0]  }
0xab: {  	v8 =	vadd.f32 $8.388608000e+06, v8;
	v5 =	vperm.xlane v0, v5;
	v9 =	vadd.f32 $8.388608000e+06, v9;
	v15 =	vld [tilespmem:s15+$0x30]  }
0xac: {  	v6 =	vperm.xlane v0, v6;
	v16 =	vld [tilespmem:s15+$0xFFFFFFD0];
	v12 =	vmul.f32 v12, v1;
	[tilespmem:s31+$0x0] =	vst v10;
	v10 =	vadd.f32 $8.388608000e+06, v14  }
0xad: {  	v13 =	vadd.f32 v13, v2;
	v9 =	vperm.xlane v0, v9;
	v7 =	vmul.f32 v7, v1;
	[tilespmem:s31+$0xFFFFFFE0] =	vst v5  }
0xae: {  	v4 =	vmax.f32 v4, $0.0e+00;
	v8 =	vperm.xlane v0, v8;
	v5 =	vadd.f32 v12, v2;
	v12 =	vld [tilespmem:s15+$0x10]  }
0xaf: {  	v4 =	vmin.f32 v4, $1.500000000e+01;
	v11 =	vmul.f32 v11, v1;
	v7 =	vadd.f32 v7, v2;
	v14 =	vld [tilespmem:s15+$0xFFFFFFF0];
	[tilespmem:s31+$0x30] =	vst v6  }
0xb0: {  	v4 =	vadd.f32 $8.388608000e+06, v4;
	v13 =	vmax.f32 v13, $0.0e+00;
	v6 =	vmul.f32 v15, v1;
	[tilespmem:s31+$0x20] =	vst v8  }
0xb1: {  	v13 =	vmin.f32 v13, $1.500000000e+01;
	v8 =	vmax.f32 v5, $0.0e+00;
	v7 =	vmax.f32 v7, $0.0e+00;
	[tilespmem:s31+$0xFFFFFFD0] =	vst v9  }
.Ltmp7:
0xb2: {  	v11 =	vadd.f32 v11, v2;
	v5 =	vmin.f32 v7, $1.500000000e+01;
	v7 =	vperm.xlane v0, v10;
	(pc) =	sbr.rel @p0 .LBB2_12-.Ltmp7, $4  }
0xb3: {  	v13 =	vadd.f32 $8.388608000e+06, v13;
	v9 =	vmul.f32 v16, v1;
	v12 =	vmul.f32 v12, v1  }
0xb4: {  	v15 =	vperm.xlane v0, v4;
	v6 =	vadd.f32 v6, v2;
	v14 =	vmul.f32 v14, v1;
	[tilespmem:s31+$0x10] =	vst v7  }
0xb5: {  	v10 =	vmin.f32 v8, $1.500000000e+01;
	v7 =	vperm.xlane v0, v13;
	v8 =	vadd.f32 v12, v2  }
0xb6: {  	s15 =	sadd.s32 $0x400, s15;
	v11 =	vmax.f32 v11, $0.0e+00;
	v9 =	vadd.f32 v9, v2;
	v4 =	vadd.f32 v14, v2;
	[tilespmem:s31+$0xFFFFFFF0] =	vst v15  }
0xb7: {  	v3 =	vmul.f32 v3, v1  }
0xb8: {  	v5 =	vadd.f32 $8.388608000e+06, v5;
	v10 =	vadd.f32 $8.388608000e+06, v10;
	v8 =	vmax.f32 v8, $0.0e+00  }
0xb9: {  	v11 =	vmin.f32 v11, $1.500000000e+01;
	v6 =	vmax.f32 v6, $0.0e+00;
	v9 =	vmax.f32 v9, $0.0e+00  }
0xba: {  	v8 =	vmin.f32 v8, $1.500000000e+01;
	v6 =	vmin.f32 v6, $1.500000000e+01;
	v60 =	vadd.f32 $8.388608000e+06, v11  }
0xbb: {  	v4 =	vmax.f32 v4, $0.0e+00;
	v9 =	vmin.f32 v9, $1.500000000e+01;
	v10 =	vperm.xlane v0, v10  }
0xbc: {  	[tilespmem:s31+$0xFFFFFFC0] =	vst v7;
	v6 =	vadd.f32 $8.388608000e+06, v6;
	v5 =	vperm.xlane v0, v5;
	v3 =	vadd.f32 v3, v2  }
0xbd: {  	v8 =	vadd.f32 $8.388608000e+06, v8;
	v4 =	vmin.f32 v4, $1.500000000e+01;
	v61 =	vperm.xlane v0, v60;
	[tilespmem:s3+$0x0] =	vst v10  }
0xbe: {  	s30 =	sadd.s32 $0x1, s30;
	v9 =	vadd.f32 $8.388608000e+06, v9;
	v6 =	vperm.xlane v0, v6;
	[tilespmem:s3+$0xFFFFFFE0] =	vst v5;
	v3 =	vmax.f32 v3, $0.0e+00  }
0xbf: {  	p0 =	sne.s32 s30, $0x8;
	v4 =	vadd.f32 $8.388608000e+06, v4;
	v63 =	vperm.xlane v0, v8;
	v3 =	vmin.f32 v3, $1.500000000e+01;
	[tilespmem:s3+$0x20] =	vst v61  }
.Ltmp8:
0xc0: {  	v62 =	vperm.xlane v0, v9;
	[tilespmem:s3+$0x30] =	vst v6;
	v3 =	vadd.f32 $8.388608000e+06, v3;
	(pc) =	sbr.rel @p0 .LBB2_11-.Ltmp8, $4  }
0xc1: {  	v4 =	vperm.xlane v0, v4;
	[tilespmem:s3+$0x10] =	vst v63  }
0xc2: {  	[tilespmem:s3+$0xFFFFFFD0] =	vst v62;
	v3 =	vperm.xlane v0, v3  }
0xc3: {  	[tilespmem:s3+$0xFFFFFFF0] =	vst v4  }
0xc4: {  	s2 =	sadd.s32 $0x80, s2;
	s0 =	sadd.s32 $0x80, s0;
	[tilespmem:s3+$0xFFFFFFC0] =	vst v3  }
0xc5: {  	p0 =	seq.s32 s25, $0x7  }
.Ltmp9:
0xc6: {  	_ = 	snop;
	(pc) =	sbr.rel @p0 .LBB2_16-.Ltmp9, $3  }
0xc7: {  	_ =	sdelay $0x1  }
0xc8: {  	s0 =	sadd.s32 s29, s11  }
0xc9: {  	[hbm4b:s0+s6] =	stream.linear.scatter [tilespmem:s22], [sflag:$0x4], $0x4000, $0x38;
	[tilespmem:$0x10100] =	vst v63  }
.Ltmp10:
0xca: {  	(pc) =	sbr.rel .LBB2_2-.Ltmp10, $4  }
0xcb: {  	s0 =	sadd.s32 s28, s12  }
0xcc: {  	s0 =	sshll.u32 s0, $0xB  }
0xcd: {  	s0 =	sand.u32 $0x1FFFF800, s0  }
0xce: {  	s25 =	smov.u32 s26;
	s0 =	sadd.s32 s1, s0  }
.LBB2_17:
0xcf: {  	_ =	sfence.sel $0x180000  }
0xd0: {  	[bflag:$0x0] =	sbarrier.arrive $0xFFFF  }
0xd1: {  	_ =	strace $0x90000047  }
0xd2: {  	s0 =	stileid.u32;
	[bflag:$0x2] =	sbarrier.arrive $0xFFFF  }
0xd3: {  	p0 =	sne.s32 s0, $0x0;
	s0 =	rddreg [dreg:$0x4]  }
0xd4: {  	s0 =	sadd.s32 @!p0 $0x100000, s0  }
0xd5: {  	[sflag:s0] =	ssyncadd.tile.s32 @!p0 $0x1;
	_ =	shalt  }
.Lfunc_end2:
_tile_overlayer_lowered:
.L_overlay_start_2:
0xd6: {  	(tag) =	ssettag $0x2  }
0xd7: {  	s0 =	rddreg [dreg:$0x0];
	s2 =	stileid.u32  }
0xd8: {  	s1 =	rddreg [dreg:$0x1];
	p0 =	sne.s32 s2, $0x0  }
0xd9: {  	s3 =	rddreg [dreg:$0x2];
	[bflag:$0x3] =	sbarrier.arrive $0xFFFF;
	s2 =	simm.s32 @!p0 $0x1C05  }
0xda: {  	[timem:s3], [sflag:s2] =	dma.local @!p0 [hbm:s0], s1  }
0xdb: {  	s0 =	simm.s32 @!p0 $0x5  }
0xdc: {  	_ =	swait.ge @!p0 [sflag:s0], s1  }
0xdd: {  	s1 =	ssub.s32 @!p0 $0x0, s1;
	[sflag:s0] =	ssyncset.done @!p0 $0x0  }
0xde: {  	[sflag:s0] =	ssyncadd.s32 @!p0 s1  }
0xdf: {  	[bflag:$0x3] =	sbarrier.arrive $0xFFFF  }
0xe0: {  	_ =	shalt  }

</sc_bundles>
